<compile_context>
chip_gen: v7x
topology: tpu7x:2x2x1
jax: 0.10.2.dev20260603
libtpu: 0.0.44.dev20260713+nightly
codegen_flags: <defaults>
</compile_context>

<pallas_src>
import jax
import jax.numpy as jnp
from jax.experimental import pallas as pl

B, N, T, P, D = 256, 128, 1, 7, 256
TOKEN_DIM = 128
EMB_FEAT = P * D
M = B * N

ROWS = 512


def _fused_masked_linear(x_ref, vis_ref, mask_ref, w1_ref, w2_ref, b_ref, out_ref):
    acc = jnp.dot(vis_ref[:], w2_ref[:], preferred_element_type=jnp.float32)
    acc += b_ref[:]
    for p in range(P):
        x = x_ref[:, p, :].astype(jnp.bfloat16)
        acc += jnp.dot(x, w1_ref[p], preferred_element_type=jnp.float32)
    out_ref[:] = acc * mask_ref[:]


def kernel(embs, vis, masks, W, b):
    x3d = embs.reshape(M, P, D)
    vis2d = vis.reshape(M, P)
    maskf = masks.reshape(M, 1).astype(jnp.float32)
    w1 = W[:, :EMB_FEAT].T.reshape(P, D, TOKEN_DIM).astype(jnp.bfloat16)
    w2 = W[:, EMB_FEAT:].T
    b2 = b.reshape(1, TOKEN_DIM)

    grid = (M // ROWS,)
    out = pl.pallas_call(
        _fused_masked_linear,
        grid=grid,
        in_specs=[
            pl.BlockSpec((ROWS, P, D), lambda i: (i, 0, 0)),
            pl.BlockSpec((ROWS, P), lambda i: (i, 0)),
            pl.BlockSpec((ROWS, 1), lambda i: (i, 0)),
            pl.BlockSpec((P, D, TOKEN_DIM), lambda i: (0, 0, 0)),
            pl.BlockSpec((P, TOKEN_DIM), lambda i: (0, 0)),
            pl.BlockSpec((1, TOKEN_DIM), lambda i: (0, 0)),
        ],
        out_specs=pl.BlockSpec((ROWS, TOKEN_DIM), lambda i: (i, 0)),
        out_shape=jax.ShapeDtypeStruct((M, TOKEN_DIM), jnp.float32),
    )(x3d, vis2d, maskf, w1, w2, b2)
    return out.reshape(B, N, TOKEN_DIM)

# --- scband reference (transcript-rebuilt; emitter-appended) ---
"""Pipeline reference for scband-smart-linear-appearance-83476984365256 (READ-ONLY COPY).

The authoritative reference and input builder live on the scoring server;
editing this copy changes nothing except your own understanding.
"""

import jax, jax.numpy as jnp
import numpy as np

B, N, T, P, D = 256, 128, 1, 7, 256
TOKEN_DIM = 128
FEAT_DIM = P * D + P  # 1799


def setup_inputs(seed: int = 0) -> dict:
    key = jax.random.key(seed)
    k1, k2, k3, k4, k5 = jax.random.split(key, 5)
    embs = jax.random.normal(k1, (B, N, T, P, D), dtype=jnp.float32)
    vis = jax.random.uniform(k2, (B, N, T, P), dtype=jnp.float32)
    masks = jax.random.randint(k3, (B, N, T), 0, 2).astype(jnp.bool_)
    W = jax.random.normal(k4, (TOKEN_DIM, FEAT_DIM), dtype=jnp.float32) / np.sqrt(FEAT_DIM)
    b = jax.random.normal(k5, (TOKEN_DIM,), dtype=jnp.float32) * 0.01
    return {"embs": embs, "vis": vis, "masks": masks, "W": W, "b": b}


def reference(embs, vis, masks, W, b):
    # masks.shape[2] == 1, so the smart() EMA branch is skipped (matches torch control flow).
    # feats = cat([embs.flatten(-2,-1), vis], dim=3) -> [B, N, T, P*D + P]
    feats = jnp.concatenate([embs.reshape(embs.shape[:3] + (-1,)), vis], axis=3)
    # tokens = zeros; tokens[masks] = linear(feats[masks])  == masked scatter of linear output
    lin = jnp.einsum('bntf,of->bnto', feats, W) + b
    tokens = jnp.where(masks[..., None], lin, jnp.zeros((), dtype=jnp.float32))
    # squeeze(dim=2), T == 1
    tokens = tokens.squeeze(axis=2)
    return tokens

if __name__ == "__main__":
    import jax
    _d = setup_inputs()
    print(jax.jit(kernel)(*tuple(_d.values())))

</pallas_src>

<mosaic_0001>
module attributes {stable_mosaic.version = 14 : i64} {
  func.func @_fused_masked_linear(%arg0: i32, %arg1: memref<512x7x256xf32, #tpu.memory_space<vmem>>, %arg2: memref<512x7xf32, #tpu.memory_space<vmem>>, %arg3: memref<512x1xf32, #tpu.memory_space<vmem>>, %arg4: memref<7x256x128xbf16, #tpu.memory_space<vmem>>, %arg5: memref<7x128xf32, #tpu.memory_space<vmem>>, %arg6: memref<1x128xf32, #tpu.memory_space<vmem>>, %arg7: memref<512x128xf32, #tpu.memory_space<vmem>>) attributes {dimension_semantics = [#tpu.dimension_semantics<arbitrary>], iteration_bounds = array<i64: 64>, scalar_prefetch = 0 : i64, scratch_operands = 0 : i64, tpu.core_type = #tpu.core_type<tc>, window_params = [{transform_indices = @transform_0, window_bounds = array<i64: 512, 7, 256>}, {transform_indices = @transform_1, window_bounds = array<i64: 512, 7>}, {transform_indices = @transform_2, window_bounds = array<i64: 512, 1>}, {pipeline_mode = #tpu.pipeline_mode<synchronous>, transform_indices = @transform_3, window_bounds = array<i64: 7, 256, 128>}, {pipeline_mode = #tpu.pipeline_mode<synchronous>, transform_indices = @transform_4, window_bounds = array<i64: 7, 128>}, {pipeline_mode = #tpu.pipeline_mode<synchronous>, transform_indices = @transform_5, window_bounds = array<i64: 1, 128>}, {transform_indices = @transform_6, window_bounds = array<i64: 512, 128>}]} {
    %get3A = arith.constant 0 : index
    %get3A_0 = arith.constant 0 : index
    %get3A_1 = vector.load %arg2[%get3A, %get3A_0] : memref<512x7xf32, #tpu.memory_space<vmem>>, vector<512x7xf32>
    %get3A_2 = arith.constant 0 : index
    %get3A_3 = arith.constant 0 : index
    %get3A_4 = vector.load %arg5[%get3A_2, %get3A_3] : memref<7x128xf32, #tpu.memory_space<vmem>>, vector<7x128xf32>
    %dot_general3A = arith.constant dense<0.000000e+00> : vector<512x128xf32>
    %dot_general3A_5 = tpu.matmul %get3A_1, %get3A_4, %dot_general3A {dimension_numbers = #tpu.dot_dimension_numbers<[1], [0], [0], [1], [0, 0, 1, 1], [], []>, transpose_lhs_hint = false} : vector<512x7xf32>, vector<7x128xf32>, vector<512x128xf32> -> vector<512x128xf32>
    %get3A_6 = arith.constant 0 : index
    %get3A_7 = arith.constant 0 : index
    %get3A_8 = vector.load %arg6[%get3A_6, %get3A_7] : memref<1x128xf32, #tpu.memory_space<vmem>>, vector<1x128xf32>
    %add3A = vector.broadcast %get3A_8 : vector<1x128xf32> to vector<512x128xf32>
    %add3A_9 = arith.addf %dot_general3A_5, %add3A : vector<512x128xf32>
    %get3A_10 = arith.constant 0 : index
    %get3A_11 = arith.constant 0 : index
    %get3A_12 = arith.constant 0 : index
    %get3A_13 = vector.load %arg1[%get3A_10, %get3A_11, %get3A_12] : memref<512x7x256xf32, #tpu.memory_space<vmem>>, vector<512x1x256xf32>
    %get3A_14 = vector.shape_cast %get3A_13 : vector<512x1x256xf32> to vector<512x256xf32>
    %convert_element_type3A = arith.truncf %get3A_14 : vector<512x256xf32> to vector<512x256xbf16>
    %get3A_15 = arith.constant 0 : index
    %get3A_16 = arith.constant 0 : index
    %get3A_17 = arith.constant 0 : index
    %get3A_18 = vector.load %arg4[%get3A_15, %get3A_16, %get3A_17] : memref<7x256x128xbf16, #tpu.memory_space<vmem>>, vector<1x256x128xbf16>
    %get3A_19 = vector.shape_cast %get3A_18 : vector<1x256x128xbf16> to vector<256x128xbf16>
    %dot_general3A_20 = arith.constant dense<0.000000e+00> : vector<512x128xf32>
    %dot_general3A_21 = tpu.matmul %convert_element_type3A, %get3A_19, %dot_general3A_20 {dimension_numbers = #tpu.dot_dimension_numbers<[1], [0], [0], [1], [0, 0, 1, 1], [], []>, transpose_lhs_hint = false} : vector<512x256xbf16>, vector<256x128xbf16>, vector<512x128xf32> -> vector<512x128xf32>
    %add3A_22 = arith.addf %add3A_9, %dot_general3A_21 : vector<512x128xf32>
    %get3A_23 = arith.constant 0 : index
    %get3A_24 = arith.constant 1 : index
    %get3A_25 = arith.constant 0 : index
    %get3A_26 = vector.load %arg1[%get3A_23, %get3A_24, %get3A_25] : memref<512x7x256xf32, #tpu.memory_space<vmem>>, vector<512x1x256xf32>
    %get3A_27 = vector.shape_cast %get3A_26 : vector<512x1x256xf32> to vector<512x256xf32>
    %convert_element_type3A_28 = arith.truncf %get3A_27 : vector<512x256xf32> to vector<512x256xbf16>
    %get3A_29 = arith.constant 1 : index
    %get3A_30 = arith.constant 0 : index
    %get3A_31 = arith.constant 0 : index
    %get3A_32 = vector.load %arg4[%get3A_29, %get3A_30, %get3A_31] : memref<7x256x128xbf16, #tpu.memory_space<vmem>>, vector<1x256x128xbf16>
    %get3A_33 = vector.shape_cast %get3A_32 : vector<1x256x128xbf16> to vector<256x128xbf16>
    %dot_general3A_34 = arith.constant dense<0.000000e+00> : vector<512x128xf32>
    %dot_general3A_35 = tpu.matmul %convert_element_type3A_28, %get3A_33, %dot_general3A_34 {dimension_numbers = #tpu.dot_dimension_numbers<[1], [0], [0], [1], [0, 0, 1, 1], [], []>, transpose_lhs_hint = false} : vector<512x256xbf16>, vector<256x128xbf16>, vector<512x128xf32> -> vector<512x128xf32>
    %add3A_36 = arith.addf %add3A_22, %dot_general3A_35 : vector<512x128xf32>
    %get3A_37 = arith.constant 0 : index
    %get3A_38 = arith.constant 2 : index
    %get3A_39 = arith.constant 0 : index
    %get3A_40 = vector.load %arg1[%get3A_37, %get3A_38, %get3A_39] : memref<512x7x256xf32, #tpu.memory_space<vmem>>, vector<512x1x256xf32>
    %get3A_41 = vector.shape_cast %get3A_40 : vector<512x1x256xf32> to vector<512x256xf32>
    %convert_element_type3A_42 = arith.truncf %get3A_41 : vector<512x256xf32> to vector<512x256xbf16>
    %get3A_43 = arith.constant 2 : index
    %get3A_44 = arith.constant 0 : index
    %get3A_45 = arith.constant 0 : index
    %get3A_46 = vector.load %arg4[%get3A_43, %get3A_44, %get3A_45] : memref<7x256x128xbf16, #tpu.memory_space<vmem>>, vector<1x256x128xbf16>
    %get3A_47 = vector.shape_cast %get3A_46 : vector<1x256x128xbf16> to vector<256x128xbf16>
    %dot_general3A_48 = arith.constant dense<0.000000e+00> : vector<512x128xf32>
    %dot_general3A_49 = tpu.matmul %convert_element_type3A_42, %get3A_47, %dot_general3A_48 {dimension_numbers = #tpu.dot_dimension_numbers<[1], [0], [0], [1], [0, 0, 1, 1], [], []>, transpose_lhs_hint = false} : vector<512x256xbf16>, vector<256x128xbf16>, vector<512x128xf32> -> vector<512x128xf32>
    %add3A_50 = arith.addf %add3A_36, %dot_general3A_49 : vector<512x128xf32>
    %get3A_51 = arith.constant 0 : index
    %get3A_52 = arith.constant 3 : index
    %get3A_53 = arith.constant 0 : index
    %get3A_54 = vector.load %arg1[%get3A_51, %get3A_52, %get3A_53] : memref<512x7x256xf32, #tpu.memory_space<vmem>>, vector<512x1x256xf32>
    %get3A_55 = vector.shape_cast %get3A_54 : vector<512x1x256xf32> to vector<512x256xf32>
    %convert_element_type3A_56 = arith.truncf %get3A_55 : vector<512x256xf32> to vector<512x256xbf16>
    %get3A_57 = arith.constant 3 : index
    %get3A_58 = arith.constant 0 : index
    %get3A_59 = arith.constant 0 : index
    %get3A_60 = vector.load %arg4[%get3A_57, %get3A_58, %get3A_59] : memref<7x256x128xbf16, #tpu.memory_space<vmem>>, vector<1x256x128xbf16>
    %get3A_61 = vector.shape_cast %get3A_60 : vector<1x256x128xbf16> to vector<256x128xbf16>
    %dot_general3A_62 = arith.constant dense<0.000000e+00> : vector<512x128xf32>
    %dot_general3A_63 = tpu.matmul %convert_element_type3A_56, %get3A_61, %dot_general3A_62 {dimension_numbers = #tpu.dot_dimension_numbers<[1], [0], [0], [1], [0, 0, 1, 1], [], []>, transpose_lhs_hint = false} : vector<512x256xbf16>, vector<256x128xbf16>, vector<512x128xf32> -> vector<512x128xf32>
    %add3A_64 = arith.addf %add3A_50, %dot_general3A_63 : vector<512x128xf32>
    %get3A_65 = arith.constant 0 : index
    %get3A_66 = arith.constant 4 : index
    %get3A_67 = arith.constant 0 : index
    %get3A_68 = vector.load %arg1[%get3A_65, %get3A_66, %get3A_67] : memref<512x7x256xf32, #tpu.memory_space<vmem>>, vector<512x1x256xf32>
    %get3A_69 = vector.shape_cast %get3A_68 : vector<512x1x256xf32> to vector<512x256xf32>
    %convert_element_type3A_70 = arith.truncf %get3A_69 : vector<512x256xf32> to vector<512x256xbf16>
    %get3A_71 = arith.constant 4 : index
    %get3A_72 = arith.constant 0 : index
    %get3A_73 = arith.constant 0 : index
    %get3A_74 = vector.load %arg4[%get3A_71, %get3A_72, %get3A_73] : memref<7x256x128xbf16, #tpu.memory_space<vmem>>, vector<1x256x128xbf16>
    %get3A_75 = vector.shape_cast %get3A_74 : vector<1x256x128xbf16> to vector<256x128xbf16>
    %dot_general3A_76 = arith.constant dense<0.000000e+00> : vector<512x128xf32>
    %dot_general3A_77 = tpu.matmul %convert_element_type3A_70, %get3A_75, %dot_general3A_76 {dimension_numbers = #tpu.dot_dimension_numbers<[1], [0], [0], [1], [0, 0, 1, 1], [], []>, transpose_lhs_hint = false} : vector<512x256xbf16>, vector<256x128xbf16>, vector<512x128xf32> -> vector<512x128xf32>
    %add3A_78 = arith.addf %add3A_64, %dot_general3A_77 : vector<512x128xf32>
    %get3A_79 = arith.constant 0 : index
    %get3A_80 = arith.constant 5 : index
    %get3A_81 = arith.constant 0 : index
    %get3A_82 = vector.load %arg1[%get3A_79, %get3A_80, %get3A_81] : memref<512x7x256xf32, #tpu.memory_space<vmem>>, vector<512x1x256xf32>
    %get3A_83 = vector.shape_cast %get3A_82 : vector<512x1x256xf32> to vector<512x256xf32>
    %convert_element_type3A_84 = arith.truncf %get3A_83 : vector<512x256xf32> to vector<512x256xbf16>
    %get3A_85 = arith.constant 5 : index
    %get3A_86 = arith.constant 0 : index
    %get3A_87 = arith.constant 0 : index
    %get3A_88 = vector.load %arg4[%get3A_85, %get3A_86, %get3A_87] : memref<7x256x128xbf16, #tpu.memory_space<vmem>>, vector<1x256x128xbf16>
    %get3A_89 = vector.shape_cast %get3A_88 : vector<1x256x128xbf16> to vector<256x128xbf16>
    %dot_general3A_90 = arith.constant dense<0.000000e+00> : vector<512x128xf32>
    %dot_general3A_91 = tpu.matmul %convert_element_type3A_84, %get3A_89, %dot_general3A_90 {dimension_numbers = #tpu.dot_dimension_numbers<[1], [0], [0], [1], [0, 0, 1, 1], [], []>, transpose_lhs_hint = false} : vector<512x256xbf16>, vector<256x128xbf16>, vector<512x128xf32> -> vector<512x128xf32>
    %add3A_92 = arith.addf %add3A_78, %dot_general3A_91 : vector<512x128xf32>
    %get3A_93 = arith.constant 0 : index
    %get3A_94 = arith.constant 6 : index
    %get3A_95 = arith.constant 0 : index
    %get3A_96 = vector.load %arg1[%get3A_93, %get3A_94, %get3A_95] : memref<512x7x256xf32, #tpu.memory_space<vmem>>, vector<512x1x256xf32>
    %get3A_97 = vector.shape_cast %get3A_96 : vector<512x1x256xf32> to vector<512x256xf32>
    %convert_element_type3A_98 = arith.truncf %get3A_97 : vector<512x256xf32> to vector<512x256xbf16>
    %get3A_99 = arith.constant 6 : index
    %get3A_100 = arith.constant 0 : index
    %get3A_101 = arith.constant 0 : index
    %get3A_102 = vector.load %arg4[%get3A_99, %get3A_100, %get3A_101] : memref<7x256x128xbf16, #tpu.memory_space<vmem>>, vector<1x256x128xbf16>
    %get3A_103 = vector.shape_cast %get3A_102 : vector<1x256x128xbf16> to vector<256x128xbf16>
    %dot_general3A_104 = arith.constant dense<0.000000e+00> : vector<512x128xf32>
    %dot_general3A_105 = tpu.matmul %convert_element_type3A_98, %get3A_103, %dot_general3A_104 {dimension_numbers = #tpu.dot_dimension_numbers<[1], [0], [0], [1], [0, 0, 1, 1], [], []>, transpose_lhs_hint = false} : vector<512x256xbf16>, vector<256x128xbf16>, vector<512x128xf32> -> vector<512x128xf32>
    %add3A_106 = arith.addf %add3A_92, %dot_general3A_105 : vector<512x128xf32>
    %get3A_107 = arith.constant 0 : index
    %get3A_108 = arith.constant 0 : index
    %get3A_109 = vector.load %arg3[%get3A_107, %get3A_108] : memref<512x1xf32, #tpu.memory_space<vmem>>, vector<512x1xf32>
    %mul3A = vector.broadcast %get3A_109 : vector<512x1xf32> to vector<512x128xf32>
    %mul3A_110 = arith.mulf %add3A_106, %mul3A : vector<512x128xf32>
    %swap3A = arith.constant 0 : index
    %swap3A_111 = arith.constant 0 : index
    %swap3A_112 = vector.load %arg7[%swap3A, %swap3A_111] : memref<512x128xf32, #tpu.memory_space<vmem>>, vector<512x128xf32>
    tpu.vector_store %arg7[%swap3A, %swap3A_111], %mul3A_110 {strides = array<i32>} : memref<512x128xf32, #tpu.memory_space<vmem>>, vector<512x128xf32>,
    return
  }
  func.func @transform_0(%arg0: i32) -> (i32, i32, i32) {
    %c0_i32 = arith.constant 0 : i32
    %c0_i32_0 = arith.constant 0 : i32
    %c0_i32_1 = arith.constant 0 : i32
    return %arg0, %c0_i32, %c0_i32_0 : i32, i32, i32
  }
  func.func @transform_1(%arg0: i32) -> (i32, i32) {
    %c0_i32 = arith.constant 0 : i32
    %c0_i32_0 = arith.constant 0 : i32
    return %arg0, %c0_i32 : i32, i32
  }
  func.func @transform_2(%arg0: i32) -> (i32, i32) {
    %c0_i32 = arith.constant 0 : i32
    %c0_i32_0 = arith.constant 0 : i32
    return %arg0, %c0_i32 : i32, i32
  }
  func.func @transform_3(%arg0: i32) -> (i32, i32, i32) {
    %c0_i32 = arith.constant 0 : i32
    %c0_i32_0 = arith.constant 0 : i32
    %c0_i32_1 = arith.constant 0 : i32
    %c0_i32_2 = arith.constant 0 : i32
    return %c0_i32, %c0_i32_0, %c0_i32_1 : i32, i32, i32
  }
  func.func @transform_4(%arg0: i32) -> (i32, i32) {
    %c0_i32 = arith.constant 0 : i32
    %c0_i32_0 = arith.constant 0 : i32
    %c0_i32_1 = arith.constant 0 : i32
    return %c0_i32, %c0_i32_0 : i32, i32
  }
  func.func @transform_5(%arg0: i32) -> (i32, i32) {
    %c0_i32 = arith.constant 0 : i32
    %c0_i32_0 = arith.constant 0 : i32
    %c0_i32_1 = arith.constant 0 : i32
    return %c0_i32, %c0_i32_0 : i32, i32
  }
  func.func @transform_6(%arg0: i32) -> (i32, i32) {
    %c0_i32 = arith.constant 0 : i32
    %c0_i32_0 = arith.constant 0 : i32
    return %arg0, %c0_i32 : i32, i32
  }
}

</mosaic_0001>

<sc_bundles>
// kernel: sparse-core-data-format-call.cloned.1.call-start
scs
called_computation_lowered:
.L_overlay_start_0:
0x0: {  	s2 =	sld [smem:$0x3FD9]  }
0x1: {  	s3 =	sld [smem:$0x3FFE];
	_ =	sdelay $0x1  }
0x2: {  	s1 =	srdreg.scid  }
0x3: {  	s0 =	sand.u32 $0x1, s1  }
0x4: {  	s18 =	sshll.u32 s0, $0xA;
	s2 =	sadd.s32 s3, s2  }
0x5: {  	s2 =	sadd.s32 s2, s18  }
0x6: {  	[smem:$0x3FC3] =	sst s2  }
0x7: {  	_ = 	snop  }
0x8: {  	s2 =	sld [smem:$0x3FC9];
	(tm) =	ssettm $0x1  }
0x9: {  	s19 =	sld [smem:$0x3FFB];
	_ =	sdelay $0x3  }
0xa: {  	_ =	strace s19  }
0xb: {  	s3 =	sld [smem:$0x3FFC];
	_ =	sdelay $0x3  }
0xc: {  	_ =	strace s3  }
0xd: {  	s3 =	sld [smem:$0x3FFD];
	_ =	sdelay $0x3  }
0xe: {  	_ =	strace s3  }
0xf: {  	_ =	strace $0x8FFFFFFF  }
0x10: {  	s20 =	sld [smem:$0x3FDB];
	_ =	sdelay $0x1  }
0x11: {  	s4 =	simm.s32 $_scs_section_size  }
0x12: {  	s5 =	simm.s32 $_size__tile_overlayer_lowered;
	s6 =	simm.s32 $_tile_overlayer_lowered  }
0x13: {  	s23 =	simm.s32 $0x1BFF;
	s22 =	sshll.u32 s6, $0x1;
	s3 =	sadd.s32 s4, s20  }
0x14: {  	s7 =	simm.s32 $0x0;
	s21 =	sshll.u32 s5, $0x1;
	s5 =	sadd.s32 s22, s3  }
0x15: {  	[timem:s7], [sflag:s23] =	dma.local [hbm:s5], s21  }
0x16: {  	_ =	swait.ge [sflag:s23], s21  }
0x17: {  	s4 =	ssub.s32 $0x0, s21;
	[sflag:s23] =	ssyncset.done $0x0  }
0x18: {  	[sflag:s23] =	ssyncadd.s32 s4;
	_ =	sdelay $0x1  }
0x19: {  	s24 =	simm.s32 $0x1B8B  }
0x1a: {  	_ =	swait.ge [sflag:s24], $0x1  }
0x1b: {  	[sflag:s24] =	ssyncset.done $0x0  }
0x1c: {  	s26 =	simm.s32 $0x1B8E;
	s25 =	sld [smem:$0x3FFE];
	[sflag:s24] =	ssyncadd.s32 $0xFFFFFFFF  }
0x1d: {  	s27 =	simm.s32 $execute0_lowered;
	[smem:$0x3FD2] =	sst s26  }
0x1e: {  	s5 =	sshll.u32 s27, $0x1;
	_ =	strace $0x80000046;
	[dreg:$0x1] =	wrdreg $0xFFFFFFFF  }
0x1f: {  	s28 =	simm.s32 $_size_execute0_lowered;
	s3 =	sadd.s32 s3, s5;
	[dreg:$0x0] =	wrdreg $0x0  }
0x20: {  	s5 =	sshll.u32 s28, $0x1;
	[dreg:$0x2] =	wrdreg s3  }
0x21: {  	[dreg:$0x3] =	wrdreg s5  }
0x22: {  	[dreg:$0x4] =	wrdreg $0xC0  }
0x23: {  	_ =	task [dreg:s7], $0x5FFFF  }
0x24: {  	[dreg:$0x1] =	wrdreg $0xFFFFFFFF  }
0x25: {  	[dreg:$0x0] =	wrdreg $0x60  }
0x26: {  	[dreg:$0x2] =	wrdreg s2  }
0x27: {  	[dreg:$0x3] =	wrdreg s25  }
0x28: {  	[dreg:$0x4] =	wrdreg $0x9  }
0x29: {  	_ =	task.clear_ibuf [dreg:s7], $0x5FFFF;
	_ =	strace $0x90000046  }
0x2a: {  	s29 =	simm.s32 $0x9;
	_ =	strace $0x80000048  }
0x2b: {  	_ =	swait.ge [sflag:s29], $0x1  }
0x2c: {  	[sflag:s29] =	ssyncadd.s32 $0xFFFFFFFF  }
0x2d: {  	_ =	strace $0x90000048  }
0x2e: {  	_ =	sfence  }
0x2f: {  	s30 =	sld [smem:$0x0];
	_ =	sdelay $0x2  }
0x30: {  	s31 =	sshll.u32 s1, $0xD;
	s1 =	sshrl.u32 s1, $0x2  }
0x31: {  	s3 =	sand.u32 $0x4000, s31;
	s1 =	sadd.s32 s1, s30  }
0x32: {  	s0 =	sor.u32 s3, s0;
	s1 =	sshll.u32 s1, $0x11  }
0x33: {  	s0 =	sor.u32 s1, s0  }
0x34: {  	s0 =	sadd.s32 $0x8F2B, s0  }
0x35: {  	[sflag:s0] =	ssyncadd.remote.s32 $0x1  }
0x36: {  	_ =	sfence.sel $0xFFFF  }
0x37: {  	[dreg:$0x0] =	wrdreg $0xFFFFFFFF;
	(pc) =	sbr.abs _section_cstart, $3  }
0x38: {  	[dreg:$0x1] =	wrdreg $0xFFFFFFFF  }
0x39: {  	_ =	task.clear_ibuf [dreg:s7], $0x2FFFF;
	_ =	strace $0x9FFFFFFF  }
0x3a: {  	(tm) =	ssettm $0x7FFFFFFF  }
0x3b: {  	_ =	shalt  }
tec
execute0_lowered:
.L_overlay_start_1:
0x0: {  	(tag) =	ssettag $0x1  }
0x1: {  	s2 =	rddreg [dreg:$0x0]  }
0x2: {  	s1 =	rddreg [dreg:$0x1]  }
0x3: {  	s0 =	rddreg [dreg:$0x2];
	_ =	strace $0x80000047;
	s4 =	srdreg.scid  }
0x4: {  	s6 =	simm.s32 $0x2;
	s12 =	simm.s32 $0x0;
	p0 =	por $0x0, $0x0  }
0x5: {  	s15 =	simm.s32 $0x0;
	s13 =	simm.s32 $0x0;
	s14 =	simm.s32 $0x0  }
.Ltmp0:
0x6: {  	s8 =	simm.s32 $0x0;
	s9 =	simm.s32 $0x0;
	(pc) =	sbr.rel .LBB1_1-.Ltmp0, $4  }
0x7: {  	s10 =	simm.s32 $0x0;
	s3 =	sadd.s32 $0xC00, s1;
	s5 =	sshll.u32 s4, $0x4  }
0x8: {  	s1 =	stileid.u32;
	s4 =	simm.s32 $0x1;
	s5 =	sand.u32 $0x10, s5  }
0x9: {  	s7 =	simm.s32 $0x0;
	[sflag:s4] =	ssyncpa.u1 $0x0;
	s5 =	sor.u32 s1, s5  }
0xa: {  	[sflag:s6] =	ssyncpa.u1 $0x0;
	s6 =	simm.s32 $0x800;
	s11 =	smov.u32 s5  }
.LBB1_5:
0xb: {  	s16 =	sadd.s32 $0x80, s8  }
0xc: {  	s12 =	simm.s32 $0x1;
	p2 =	sgt.s32 s16, $0xFF  }
0xd: {  	s12 =	simm.s32 @!p2 $0x0  }
0xe: {  	s17 =	sadd.s32 s12, s9  }
0xf: {  	s18 =	smov.u32 s10;
	s12 =	sadd.s32 $0x80, s10;
	p3 =	sgt.s32 s17, $0x6  }
0x10: {  	s18 =	smov.u32 @p3 s12  }
0x11: {  	s19 =	smov.u32 s11;
	s12 =	sadd.s32 $0x20, s11;
	p4 =	sgt.s32 s18, $0x7F  }
0x12: {  	p1 =	slt.u32 s7, $0x2;
	s19 =	smov.u32 @p4 s12  }
0x13: {  	s7 =	sadd.s32 $0x1, s7;
	s16 =	simm.s32 @p2 $0x0;
	p2 =	sgt.s32 s19, $0xFF  }
0x14: {  	s20 =	simm.s32 @!p1 $0x2;
	s19 =	smov.u32 @p2 s5;
	p2 =	sne.s32 s7, $0x72  }
.Ltmp1:
0x15: {  	s15 =	smov.u32 s9;
	_ =	swait.ge @!p1 [sflag:s20], $0x4000;
	(pc) =	sbr.rel @!p2 .LBB1_6-.Ltmp1, $4  }
0x16: {  	s13 =	smov.u32 s10;
	s14 =	smov.u32 s11;
	[sflag:s20] =	ssyncset.done @!p1 $0x0  }
0x17: {  	p0 =	por !p0, !p0;
	[sflag:s20] =	ssyncadd.s32 @!p1 $0xFFFFC000;
	s17 =	simm.s32 @p3 $0x0  }
0x18: {  	s9 =	smov.u32 s17;
	s18 =	simm.s32 @p4 $0x0;
	s12 =	smov.u32 s8  }
0x19: {  	s8 =	smov.u32 s16;
	s10 =	smov.u32 s18;
	s11 =	smov.u32 s19  }
.LBB1_1:
0x1a: {  	p1 =	sgt.u32 s7, $0x6F  }
0x1b: {  	s17 =	smul.u32 @!p1 $0x7000, s11  }
0x1c: {  	s16 =	sxor.u32 @!p1 $0xFFFFFFFF, s7;
	s18 =	smul.u32 @!p1 $0xE0, s10;
	s19 =	sshll.u32 @!p1 s9, $0x5  }
0x1d: {  	s20 =	sshrl.u32 @!p1 s8, $0x3;
	s16 =	sshll.u32 @!p1 s16, $0xE;
	s17 =	sadd.s32 @!p1 s2, s17  }
0x1e: {  	s20 =	sand.u32 @!p1 $0x1F, s20;
	s17 =	sadd.s32 @!p1 s18, s17;
	s18 =	sand.u32 @!p1 $0x7, s8  }
0x1f: {  	s16 =	sand.u32 @!p1 $0x4000, s16;
	s17 =	sadd.s32 @!p1 s19, s17;
	s18 =	sshll.u32 @!p1 s18, $0x12  }
0x20: {  	s19 =	simm.s32 @!p1 $0x700;
	s17 =	sadd.s32 @!p1 s20, s17;
	s18 =	sor.u32 @!p1 $0x80, s18  }
0x21: {  	[tilespmem:s16], [sflag:$0x1] =	stream.strided.gather @!p1 [hbm4b:s17+s18], $0x4000, s19, s18, $0x38;
	[tilespmem:$0x10000] =	vst v63  }
0x22: {  	p1 =	seq.s32 s7, $0x0  }
0x23: {  	p2 =	seq.s32 @!p1 s7, $0x71  }
0x24: {  	p1 =	por p1, p2  }
.Ltmp2:
0x25: {  	_ = 	snop;
	(pc) =	sbr.rel @p1 .LBB1_5-.Ltmp2, $1  }
0x26: {  	_ =	sdelay $0x3  }
0x27: {  	s16 =	simm.s32 $0x1  }
0x28: {  	s16 =	simm.s32 @!p0 $0x0  }
0x29: {  	s16 =	sshll.u32 s16, $0xE  }
0x2a: {  	s17 =	sor.u32 $0x40, s16  }
0x2b: {  	v1 =	vmov s17;
	_ =	sdelay $0x1  }
0x2c: {  	_ =	swait.ge [sflag:s4], $0x4000  }
0x2d: {  	[sflag:s4] =	ssyncset.done $0x0  }
0x2e: {  	s18 =	simm.s32 $0x0;
	[sflag:s4] =	ssyncadd.s32 $0xFFFFC000  }
0x2f: {  	s16 =	sor.u32 $0x8070, s16;
	v7 =	vld.idx.msk [tilespmem:v1+s18+$0x30 ss:$0x1], $0xffff  }
0x30: {  	v0 =	vmov s16;
	v8 =	vld.idx.msk [tilespmem:v1+s18+$0xFFFFFFC0 ss:$0x1], $0xffff  }
0x31: {  	v6 =	vld.idx.msk [tilespmem:v1+s18+$0xFFFFFFD0 ss:$0x1], $0xffff  }
0x32: {  	v4 =	vld.idx.msk [tilespmem:v1+s18+$0xFFFFFFE0 ss:$0x1], $0xffff  }
0x33: {  	v2 =	vld.idx.msk [tilespmem:v1+s18+$0xFFFFFFF0 ss:$0x1], $0xffff  }
0x34: {  	s31 =	sshll.u32 s7, $0xE;
	v3 =	vld.idx.msk [tilespmem:v1+s18+$0x0 ss:$0x1], $0xffff  }
0x35: {  	s16 =	sand.u32 $0x4000, s31;
	v5 =	vld.idx.msk [tilespmem:v1+s18+$0x10 ss:$0x1], $0xffff;
	[tilespmem:v0+s18+$0x0 ss:$0x1] =	vst.idx.msk $0xffff, v7  }
0x36: {  	s19 =	simm.s32 $0x400;
	s17 =	simm.s32 $0x80;
	s16 =	sor.u32 $0x8000, s16;
	[tilespmem:v0+s18+$0xFFFFFF90 ss:$0x1] =	vst.idx.msk $0xffff, v8;
	v7 =	vld.idx.msk [tilespmem:v1+s18+$0x20 ss:$0x1], $0xffff  }
.LBB1_3:
0x37: {  	p1 =	sne.s32 s19, $0xFE00;
	v8 =	vld.idx.msk [tilespmem:v1+s17+$0x30 ss:$0x1], $0xffff;
	[tilespmem:v0+s18+$0xFFFFFFA0 ss:$0x1] =	vst.idx.msk $0xffff, v6  }
0x38: {  	v9 =	vld.idx.msk [tilespmem:v1+s17+$0xFFFFFFC0 ss:$0x1], $0xffff;
	[tilespmem:v0+s18+$0xFFFFFFB0 ss:$0x1] =	vst.idx.msk $0xffff, v4  }
0x39: {  	v6 =	vld.idx.msk [tilespmem:v1+s17+$0xFFFFFFD0 ss:$0x1], $0xffff;
	[tilespmem:v0+s18+$0xFFFFFFC0 ss:$0x1] =	vst.idx.msk $0xffff, v2  }
.Ltmp3:
0x3a: {  	v4 =	vld.idx.msk [tilespmem:v1+s17+$0xFFFFFFE0 ss:$0x1], $0xffff;
	[tilespmem:v0+s18+$0xFFFFFFD0 ss:$0x1] =	vst.idx.msk $0xffff, v3;
	(pc) =	sbr.rel @p1 .LBB1_3-.Ltmp3, $4  }
0x3b: {  	v2 =	vld.idx.msk [tilespmem:v1+s17+$0xFFFFFFF0 ss:$0x1], $0xffff;
	[tilespmem:v0+s18+$0xFFFFFFE0 ss:$0x1] =	vst.idx.msk $0xffff, v5  }
0x3c: {  	v3 =	vld.idx.msk [tilespmem:v1+s17+$0x0 ss:$0x1], $0xffff;
	[tilespmem:v0+s18+$0xFFFFFFF0 ss:$0x1] =	vst.idx.msk $0xffff, v7;
	s18 =	smov.u32 s17  }
0x3d: {  	v5 =	vld.idx.msk [tilespmem:v1+s18+$0x10 ss:$0x1], $0xffff;
	[tilespmem:v0+s18+$0x0 ss:$0x1] =	vst.idx.msk $0xffff, v8  }
0x3e: {  	s17 =	sshra.s32 s19, $0x2;
	s19 =	sadd.s32 $0x200, s19;
	[tilespmem:v0+s18+$0xFFFFFF90 ss:$0x1] =	vst.idx.msk $0xffff, v9;
	v7 =	vld.idx.msk [tilespmem:v1+s18+$0x20 ss:$0x1], $0xffff  }
0x3f: {  	_ =	sdelay $0x3  }
0x40: {  	[tilespmem:v0+s18+$0xFFFFFFA0 ss:$0x1] =	vst.idx.msk $0xffff, v6  }
0x41: {  	v56 =	vld.idx.msk [tilespmem:v1+s17+$0x30 ss:$0x1], $0xffff;
	[tilespmem:v0+s18+$0xFFFFFFB0 ss:$0x1] =	vst.idx.msk $0xffff, v4  }
0x42: {  	v57 =	vld.idx.msk [tilespmem:v1+s17+$0xFFFFFFC0 ss:$0x1], $0xffff;
	[tilespmem:v0+s18+$0xFFFFFFC0 ss:$0x1] =	vst.idx.msk $0xffff, v2  }
0x43: {  	v58 =	vld.idx.msk [tilespmem:v1+s17+$0xFFFFFFD0 ss:$0x1], $0xffff;
	[tilespmem:v0+s18+$0xFFFFFFD0 ss:$0x1] =	vst.idx.msk $0xffff, v3  }
0x44: {  	v59 =	vld.idx.msk [tilespmem:v1+s17+$0xFFFFFFE0 ss:$0x1], $0xffff;
	[tilespmem:v0+s18+$0xFFFFFFE0 ss:$0x1] =	vst.idx.msk $0xffff, v5  }
0x45: {  	v60 =	vld.idx.msk [tilespmem:v1+s17+$0xFFFFFFF0 ss:$0x1], $0xffff;
	[tilespmem:v0+s18+$0xFFFFFFF0 ss:$0x1] =	vst.idx.msk $0xffff, v7  }
0x46: {  	v61 =	vld.idx.msk [tilespmem:v1+s17+$0x0 ss:$0x1], $0xffff;
	[tilespmem:v0+s17+$0x0 ss:$0x1] =	vst.idx.msk $0xffff, v56  }
0x47: {  	v62 =	vld.idx.msk [tilespmem:v1+s17+$0x10 ss:$0x1], $0xffff;
	[tilespmem:v0+s17+$0xFFFFFF90 ss:$0x1] =	vst.idx.msk $0xffff, v57  }
0x48: {  	s15 =	sshll.u32 s15, $0x7;
	v63 =	vld.idx.msk [tilespmem:v1+s17+$0x20 ss:$0x1], $0xffff;
	s29 =	sand.u32 $0x78, s12;
	s30 =	sshll.u32 s12, $0x3;
	[tilespmem:v0+s17+$0xFFFFFFA0 ss:$0x1] =	vst.idx.msk $0xffff, v58  }
0x49: {  	s14 =	sshll.u32 s14, $0xF;
	s13 =	sshll.u32 s13, $0x8;
	s15 =	sand.u32 $0x380, s15;
	[tilespmem:v0+s17+$0xFFFFFFB0 ss:$0x1] =	vst.idx.msk $0xffff, v59  }
.Ltmp4:
0x4a: {  	s15 =	sor.u32 s29, s15;
	s18 =	sand.u32 $0x400, s30;
	[tilespmem:v0+s17+$0xFFFFFFC0 ss:$0x1] =	vst.idx.msk $0xffff, v60;
	(pc) =	sbr.rel .LBB1_5-.Ltmp4, $4  }
0x4b: {  	s31 =	sand.u32 $0x7, s12;
	s14 =	sadd.s32 s3, s14;
	[tilespmem:v0+s17+$0xFFFFFFD0 ss:$0x1] =	vst.idx.msk $0xffff, v61;
	s15 =	sor.u32 s18, s15  }
0x4c: {  	s12 =	sshll.u32 s31, $0x12;
	s13 =	sadd.s32 s13, s14;
	[tilespmem:v0+s17+$0xFFFFFFE0 ss:$0x1] =	vst.idx.msk $0xffff, v62;
	s15 =	sshrl.u32 s15, $0x3  }
0x4d: {  	s12 =	sor.u32 $0x80, s12;
	[tilespmem:v0+s17+$0xFFFFFFF0 ss:$0x1] =	vst.idx.msk $0xffff, v63;
	s13 =	sadd.s32 s15, s13  }
0x4e: {  	[hbm4b:s13+s12] =	stream.strided.scatter [tilespmem:s16], [sflag:$0x2], $0x4000, s6, s12, $0x38;
	[tilespmem:$0x10000] =	vst v63  }
.LBB1_6:
0x4f: {  	_ =	sfence.sel $0x180000  }
0x50: {  	s2 =	simm.s32 $0x1;
	[bflag:$0x0] =	sbarrier.arrive $0xFFFF  }
0x51: {  	s31 =	simm.s32 $0x2;
	[sflag:s2] =	ssyncpa.u1 $0x1  }
0x52: {  	[sflag:s31] =	ssyncpa.u1 $0x1  }
0x53: {  	p0 =	sne.s32 s1, $0x0;
	_ =	strace $0x90000047  }
0x54: {  	s0 =	sadd.s32 @!p0 $0x100000, s0;
	[bflag:$0x2] =	sbarrier.arrive $0xFFFF  }
0x55: {  	[sflag:s0] =	ssyncadd.tile.s32 @!p0 $0x1;
	_ =	shalt  }
.Lfunc_end1:
_tile_overlayer_lowered:
.L_overlay_start_2:
0x56: {  	(tag) =	ssettag $0x2  }
0x57: {  	s0 =	rddreg [dreg:$0x0];
	s2 =	stileid.u32  }
0x58: {  	s1 =	rddreg [dreg:$0x1];
	p0 =	sne.s32 s2, $0x0  }
0x59: {  	s3 =	rddreg [dreg:$0x2];
	[bflag:$0x3] =	sbarrier.arrive $0xFFFF;
	s2 =	simm.s32 @!p0 $0x1C01  }
0x5a: {  	[timem:s3], [sflag:s2] =	dma.local @!p0 [hbm:s0], s1  }
0x5b: {  	s0 =	simm.s32 @!p0 $0x1  }
0x5c: {  	_ =	swait.ge @!p0 [sflag:s0], s1  }
0x5d: {  	s1 =	ssub.s32 @!p0 $0x0, s1;
	[sflag:s0] =	ssyncset.done @!p0 $0x0  }
0x5e: {  	[sflag:s0] =	ssyncadd.s32 @!p0 s1  }
0x5f: {  	[bflag:$0x3] =	sbarrier.arrive $0xFFFF  }
0x60: {  	_ =	shalt  }

</sc_bundles>
